<compile_context>
chip_gen: v7x
topology: tpu7x:2x2x1
jax: 0.10.2.dev20260603
libtpu: 0.0.44.dev20260713+nightly
codegen_flags: <defaults>
</compile_context>

<pallas_src>
import functools

import jax
import jax.numpy as jnp
from jax import lax
from jax.experimental import pallas as pl
from jax.experimental.pallas import tpu as pltpu
from jax.experimental.pallas import tpu_sc as plsc

_NC = 2
_NS = 16
_NW = _NC * _NS
_C = 4


def kernel(x, emb):
    (B,) = x.shape
    V, D = emb.shape
    bpw = B // _NW
    nchunk = bpw // _C

    x2 = x.reshape(_NW, nchunk, _C).astype(jnp.int32)

    mesh = plsc.VectorSubcoreMesh(core_axis_name="c", subcore_axis_name="s")

    @functools.partial(
        pl.kernel,
        out_type=jax.ShapeDtypeStruct((B, D), emb.dtype),
        mesh=mesh,
        scratch_types=[
            pltpu.VMEM((nchunk, _C), jnp.int32),
            pltpu.VMEM((_C, D), emb.dtype),
            pltpu.VMEM((_C, D), emb.dtype),
            pltpu.VMEM((_C, D), emb.dtype),
            pltpu.SemaphoreType.DMA,
            pltpu.SemaphoreType.DMA,
            pltpu.SemaphoreType.DMA,
            pltpu.SemaphoreType.DMA,
            pltpu.SemaphoreType.DMA,
            pltpu.SemaphoreType.DMA,
        ],
    )
    def gather_k(x_hbm, emb_hbm, out_hbm, idx_v, b0, b1, b2,
                 sg0, sg1, sg2, sw0, sw1, sw2):
        wid = lax.axis_index("s") * _NC + lax.axis_index("c")
        rbase = wid * bpw
        bufs = (b0, b1, b2)
        sgs = (sg0, sg1, sg2)
        sws = (sw0, sw1, sw2)

        pltpu.sync_copy(x_hbm.at[wid], idx_v)
        pltpu.async_copy(emb_hbm.at[idx_v.at[0]], b0, sg0)

        @pl.loop(0, nchunk - 2, step=3)
        def _(base):
            for t in range(3):
                k = base + t
                tn = (t + 1) % 3

                @pl.when(k >= 2)
                def _():
                    pltpu.make_async_copy(
                        bufs[tn],
                        out_hbm.at[pl.ds(rbase + (k - 2) * _C, _C)],
                        sws[tn],
                    ).wait()

                pltpu.async_copy(emb_hbm.at[idx_v.at[k + 1]], bufs[tn], sgs[tn])
                pltpu.make_async_copy(
                    emb_hbm.at[idx_v.at[k]], bufs[t], sgs[t]
                ).wait()
                pltpu.async_copy(
                    bufs[t], out_hbm.at[pl.ds(rbase + k * _C, _C)], sws[t]
                )

        for t, k in ((0, nchunk - 2), (1, nchunk - 1)):
            tn = (t + 1) % 3
            pltpu.make_async_copy(
                bufs[tn], out_hbm.at[pl.ds(rbase + (k - 2) * _C, _C)], sws[tn]
            ).wait()

            @pl.when(k + 1 < nchunk)
            def _():
                pltpu.async_copy(
                    emb_hbm.at[idx_v.at[k + 1]], bufs[tn], sgs[tn]
                )

            pltpu.make_async_copy(
                emb_hbm.at[idx_v.at[k]], bufs[t], sgs[t]
            ).wait()
            pltpu.async_copy(
                bufs[t], out_hbm.at[pl.ds(rbase + k * _C, _C)], sws[t]
            )
        for t, k in ((0, nchunk - 2), (1, nchunk - 1)):
            pltpu.make_async_copy(
                bufs[t], out_hbm.at[pl.ds(rbase + k * _C, _C)], sws[t]
            ).wait()

    return gather_k(x2, emb)

# --- scband reference (transcript-rebuilt; emitter-appended) ---
"""Pipeline reference for scband-bigram-model-11854109737179 (READ-ONLY COPY).

The authoritative reference and input builder live on the scoring server;
editing this copy changes nothing except your own understanding.
"""

import jax, jax.numpy as jnp
import numpy as np

VOCAB = 8192
BATCH = 16384

def setup_inputs(seed: int = 0) -> dict:
    key = jax.random.key(seed)
    k1, k2 = jax.random.split(key)
    x = jax.random.randint(k1, (BATCH,), 0, VOCAB, dtype=jnp.int64) if jax.config.jax_enable_x64 else jax.random.randint(k1, (BATCH,), 0, VOCAB, dtype=jnp.int32)
    emb = jax.random.normal(k2, (VOCAB, VOCAB), dtype=jnp.float32)
    return {"x": x, "emb": emb}

def reference(x, emb):
    # BigramModel.forward with targets=None: logits = self.embedding(x)
    logits = jnp.take(emb, x, axis=0)
    return logits

if __name__ == "__main__":
    import jax
    _d = setup_inputs()
    print(jax.jit(kernel)(*tuple(_d.values())))

</pallas_src>

<mosaic_0001>
#map = affine_map<(d0, d1) -> (0, 0, 0)>
#map1 = affine_map<(d0, d1) -> (0, 0)>
module attributes {stable_mosaic.version = 14 : i64} {
  func.func @gather_k(%arg0: i32, %arg1: i32, %arg2: memref<32x128x4xi32, #tpu.memory_space<hbm>>, %arg3: memref<8192x8192xf32, #tpu.memory_space<hbm>>, %arg4: memref<16384x8192xf32, #tpu.memory_space<hbm>>, %arg5: memref<128x4xi32, #tpu.memory_space<vmem>>, %arg6: memref<4x8192xf32, #tpu.memory_space<vmem>>, %arg7: memref<4x8192xf32, #tpu.memory_space<vmem>>, %arg8: memref<4x8192xf32, #tpu.memory_space<vmem>>, %arg9: memref<!tpu.dma_semaphore, #tpu.memory_space<semaphore_mem>>, %arg10: memref<!tpu.dma_semaphore, #tpu.memory_space<semaphore_mem>>, %arg11: memref<!tpu.dma_semaphore, #tpu.memory_space<semaphore_mem>>, %arg12: memref<!tpu.dma_semaphore, #tpu.memory_space<semaphore_mem>>, %arg13: memref<!tpu.dma_semaphore, #tpu.memory_space<semaphore_mem>>, %arg14: memref<!tpu.dma_semaphore, #tpu.memory_space<semaphore_mem>>) attributes {dimension_semantics = [#tpu.dimension_semantics<core_parallel>, #tpu.dimension_semantics<subcore_parallel>], iteration_bounds = array<i64: 2, 16>, scalar_prefetch = 0 : i64, scratch_operands = 10 : i64, tpu.core_type = #tpu.core_type<sc_vector_subcore>, window_params = [{transform_indices = #map}, {transform_indices = #map1}, {transform_indices = #map1}]} {
    %mul3A = arith.constant 2 : i32
    %mul3A_0 = arith.muli %arg1, %mul3A : i32
    %add3A = arith.addi %mul3A_0, %arg0 : i32
    %mul3A_1 = arith.constant 512 : i32
    %mul3A_2 = arith.muli %add3A, %mul3A_1 : i32
    "tpu.region"() ({
      %run_scoped3A = tpu.sem_alloc : memref<!tpu.dma_semaphore, #tpu.memory_space<semaphore_mem>>
      %dma_start3A_69 = arith.constant 0 : i32
      %dma_start3A_70 = arith.constant 0 : i32
      %dma_start3A_71 = tpu.memref_slice %arg2[%add3A, %dma_start3A_69, %dma_start3A_70] : memref<32x128x4xi32, #tpu.memory_space<hbm>> -> memref<1x128x4xi32, #tpu.memory_space<hbm>>
      %dma_start3A_72 = tpu.memref_squeeze %dma_start3A_71 : memref<1x128x4xi32, #tpu.memory_space<hbm>> -> memref<128x4xi32, #tpu.memory_space<hbm>>
      %dma_start3A_73 = arith.constant 0 : i32
      %dma_start3A_74 = arith.constant 0 : i32
      %dma_start3A_75 = tpu.memref_slice %arg2[%add3A, %dma_start3A_73, %dma_start3A_74] : memref<32x128x4xi32, #tpu.memory_space<hbm>> -> memref<1x128x4xi32, #tpu.memory_space<hbm>>
      %dma_start3A_76 = tpu.memref_squeeze %dma_start3A_75 : memref<1x128x4xi32, #tpu.memory_space<hbm>> -> memref<128x4xi32, #tpu.memory_space<hbm>>
      tpu.enqueue_dma source(%dma_start3A_76 : memref<128x4xi32, #tpu.memory_space<hbm>>) target(%arg5 : memref<128x4xi32, #tpu.memory_space<vmem>>) target_semaphore(%run_scoped3A : memref<!tpu.dma_semaphore, #tpu.memory_space<semaphore_mem>>)
      %dma_wait3A_77 = arith.constant 0 : i32
      %dma_wait3A_78 = arith.constant 0 : i32
      %dma_wait3A_79 = tpu.memref_slice %arg2[%add3A, %dma_wait3A_77, %dma_wait3A_78] : memref<32x128x4xi32, #tpu.memory_space<hbm>> -> memref<1x128x4xi32, #tpu.memory_space<hbm>>
      %dma_wait3A_80 = tpu.memref_squeeze %dma_wait3A_79 : memref<1x128x4xi32, #tpu.memory_space<hbm>> -> memref<128x4xi32, #tpu.memory_space<hbm>>
      %dma_wait3A_81 = arith.constant 0 : i32
      %dma_wait3A_82 = arith.constant 0 : i32
      %dma_wait3A_83 = tpu.memref_slice %arg2[%add3A, %dma_wait3A_81, %dma_wait3A_82] : memref<32x128x4xi32, #tpu.memory_space<hbm>> -> memref<1x128x4xi32, #tpu.memory_space<hbm>>
      %dma_wait3A_84 = tpu.memref_squeeze %dma_wait3A_83 : memref<1x128x4xi32, #tpu.memory_space<hbm>> -> memref<128x4xi32, #tpu.memory_space<hbm>>
      tpu.wait_dma2 semaphore(%run_scoped3A : memref<!tpu.dma_semaphore, #tpu.memory_space<semaphore_mem>>) src(%dma_wait3A_84 : memref<128x4xi32, #tpu.memory_space<hbm>>) dst(%arg5 : memref<128x4xi32, #tpu.memory_space<vmem>>)
      tpu.yield
    }) : () -> ()
    %dma_start3A = arith.constant 0 : i32
    %dma_start3A_3 = arith.constant 0 : i32
    %dma_start3A_4 = tpu.memref_slice %arg5[%dma_start3A, %dma_start3A_3] : memref<128x4xi32, #tpu.memory_space<vmem>> -> memref<1x4xi32, #tpu.memory_space<vmem>>
    %dma_start3A_5 = tpu.memref_squeeze %dma_start3A_4 : memref<1x4xi32, #tpu.memory_space<vmem>> -> memref<4xi32, #tpu.memory_space<vmem>>
    %dma_start3A_6 = arith.constant 0 : i32
    %dma_start3A_7 = arith.constant 0 : i32
    %dma_start3A_8 = tpu.memref_slice %arg3[%dma_start3A_6, %dma_start3A_7] : memref<8192x8192xf32, #tpu.memory_space<hbm>> -> memref<8192x8192xf32, #tpu.memory_space<hbm>>
    tpu.enqueue_indirect_dma source(%dma_start3A_8 : memref<8192x8192xf32, #tpu.memory_space<hbm>>) target(%arg6 : memref<4x8192xf32, #tpu.memory_space<vmem>>) offsets(%dma_start3A_5 : memref<4xi32, #tpu.memory_space<vmem>>) semaphore(%arg9 : memref<!tpu.dma_semaphore, #tpu.memory_space<semaphore_mem>>)
    %scan3A = arith.constant 0 : i32
    %scan3A_9 = arith.constant 42 : i32
    %scan3A_10 = arith.addi %scan3A, %scan3A_9 : i32
    %scan3A_11 = arith.constant 1 : i32
    scf.for %scan3A_69 = %scan3A to %scan3A_10 step %scan3A_11  : i32 {
      %mul3A_70 = arith.constant 3 : i32
      %mul3A_71 = arith.muli %scan3A_69, %mul3A_70 : i32
      %add3A_72 = arith.constant 0 : i32
      %add3A_73 = arith.addi %add3A_72, %mul3A_71 : i32
      %add3A_74 = arith.constant 0 : i32
      %add3A_75 = arith.addi %add3A_73, %add3A_74 : i32
      %ge3A = arith.constant 2 : i32
      %ge3A_76 = arith.cmpi sge, %add3A_75, %ge3A : i32
      %convert_element_type3A = arith.extui %ge3A_76 : i1 to i32
      %cond3A = arith.constant 0 : i32
      %cond3A_77 = arith.cmpi ne, %convert_element_type3A, %cond3A : i32
      scf.if %cond3A_77 {
        %sub3A = arith.constant 2 : i32
        %sub3A_155 = arith.subi %add3A_75, %sub3A : i32
        %mul3A_156 = arith.constant 4 : i32
        %mul3A_157 = arith.muli %sub3A_155, %mul3A_156 : i32
        %add3A_158 = arith.addi %mul3A_2, %mul3A_157 : i32
        %dma_wait3A_159 = arith.constant 0 : i32
        %dma_wait3A_160 = tpu.memref_slice %arg4[%add3A_158, %dma_wait3A_159] : memref<16384x8192xf32, #tpu.memory_space<hbm>> -> memref<4x8192xf32, #tpu.memory_space<hbm>>
        %dma_wait3A_161 = arith.constant 0 : i32
        %dma_wait3A_162 = tpu.memref_slice %arg4[%add3A_158, %dma_wait3A_161] : memref<16384x8192xf32, #tpu.memory_space<hbm>> -> memref<4x8192xf32, #tpu.memory_space<hbm>>
        tpu.wait_dma2 semaphore(%arg13 : memref<!tpu.dma_semaphore, #tpu.memory_space<semaphore_mem>>) src(%arg7 : memref<4x8192xf32, #tpu.memory_space<vmem>>) dst(%dma_wait3A_162 : memref<4x8192xf32, #tpu.memory_space<hbm>>)
      } else {
      }
      %add3A_78 = arith.constant 1 : i32
      %add3A_79 = arith.addi %add3A_75, %add3A_78 : i32
      %dma_start3A_80 = arith.constant 0 : i32
      %dma_start3A_81 = tpu.memref_slice %arg5[%add3A_79, %dma_start3A_80] : memref<128x4xi32, #tpu.memory_space<vmem>> -> memref<1x4xi32, #tpu.memory_space<vmem>>
      %dma_start3A_82 = tpu.memref_squeeze %dma_start3A_81 : memref<1x4xi32, #tpu.memory_space<vmem>> -> memref<4xi32, #tpu.memory_space<vmem>>
      %dma_start3A_83 = arith.constant 0 : i32
      %dma_start3A_84 = arith.constant 0 : i32
      %dma_start3A_85 = tpu.memref_slice %arg3[%dma_start3A_83, %dma_start3A_84] : memref<8192x8192xf32, #tpu.memory_space<hbm>> -> memref<8192x8192xf32, #tpu.memory_space<hbm>>
      tpu.enqueue_indirect_dma source(%dma_start3A_85 : memref<8192x8192xf32, #tpu.memory_space<hbm>>) target(%arg7 : memref<4x8192xf32, #tpu.memory_space<vmem>>) offsets(%dma_start3A_82 : memref<4xi32, #tpu.memory_space<vmem>>) semaphore(%arg10 : memref<!tpu.dma_semaphore, #tpu.memory_space<semaphore_mem>>)
      %dma_wait3A_86 = arith.constant 0 : i32
      %dma_wait3A_87 = tpu.memref_slice %arg5[%add3A_75, %dma_wait3A_86] : memref<128x4xi32, #tpu.memory_space<vmem>> -> memref<1x4xi32, #tpu.memory_space<vmem>>
      %dma_wait3A_88 = tpu.memref_squeeze %dma_wait3A_87 : memref<1x4xi32, #tpu.memory_space<vmem>> -> memref<4xi32, #tpu.memory_space<vmem>>
      %dma_wait3A_89 = arith.constant 0 : i32
      %dma_wait3A_90 = arith.constant 0 : i32
      %dma_wait3A_91 = tpu.memref_slice %arg3[%dma_wait3A_89, %dma_wait3A_90] : memref<8192x8192xf32, #tpu.memory_space<hbm>> -> memref<8192x8192xf32, #tpu.memory_space<hbm>>
      tpu.wait_indirect_dma semaphore(%arg9 : memref<!tpu.dma_semaphore, #tpu.memory_space<semaphore_mem>>) src(%dma_wait3A_91 : memref<8192x8192xf32, #tpu.memory_space<hbm>>) dst(%arg6 : memref<4x8192xf32, #tpu.memory_space<vmem>>)
      %mul3A_92 = arith.constant 4 : i32
      %mul3A_93 = arith.muli %add3A_75, %mul3A_92 : i32
      %add3A_94 = arith.addi %mul3A_2, %mul3A_93 : i32
      %dma_start3A_95 = arith.constant 0 : i32
      %dma_start3A_96 = tpu.memref_slice %arg4[%add3A_94, %dma_start3A_95] : memref<16384x8192xf32, #tpu.memory_space<hbm>> -> memref<4x8192xf32, #tpu.memory_space<hbm>>
      %dma_start3A_97 = arith.constant 0 : i32
      %dma_start3A_98 = tpu.memref_slice %arg4[%add3A_94, %dma_start3A_97] : memref<16384x8192xf32, #tpu.memory_space<hbm>> -> memref<4x8192xf32, #tpu.memory_space<hbm>>
      tpu.enqueue_dma source(%arg6 : memref<4x8192xf32, #tpu.memory_space<vmem>>) target(%dma_start3A_98 : memref<4x8192xf32, #tpu.memory_space<hbm>>) target_semaphore(%arg12 : memref<!tpu.dma_semaphore, #tpu.memory_space<semaphore_mem>>)
      %add3A_99 = arith.constant 1 : i32
      %add3A_100 = arith.addi %add3A_73, %add3A_99 : i32
      %ge3A_101 = arith.constant 2 : i32
      %ge3A_102 = arith.cmpi sge, %add3A_100, %ge3A_101 : i32
      %convert_element_type3A_103 = arith.extui %ge3A_102 : i1 to i32
      %cond3A_104 = arith.constant 0 : i32
      %cond3A_105 = arith.cmpi ne, %convert_element_type3A_103, %cond3A_104 : i32
      scf.if %cond3A_105 {
        %sub3A = arith.constant 2 : i32
        %sub3A_155 = arith.subi %add3A_100, %sub3A : i32
        %mul3A_156 = arith.constant 4 : i32
        %mul3A_157 = arith.muli %sub3A_155, %mul3A_156 : i32
        %add3A_158 = arith.addi %mul3A_2, %mul3A_157 : i32
        %dma_wait3A_159 = arith.constant 0 : i32
        %dma_wait3A_160 = tpu.memref_slice %arg4[%add3A_158, %dma_wait3A_159] : memref<16384x8192xf32, #tpu.memory_space<hbm>> -> memref<4x8192xf32, #tpu.memory_space<hbm>>
        %dma_wait3A_161 = arith.constant 0 : i32
        %dma_wait3A_162 = tpu.memref_slice %arg4[%add3A_158, %dma_wait3A_161] : memref<16384x8192xf32, #tpu.memory_space<hbm>> -> memref<4x8192xf32, #tpu.memory_space<hbm>>
        tpu.wait_dma2 semaphore(%arg14 : memref<!tpu.dma_semaphore, #tpu.memory_space<semaphore_mem>>) src(%arg8 : memref<4x8192xf32, #tpu.memory_space<vmem>>) dst(%dma_wait3A_162 : memref<4x8192xf32, #tpu.memory_space<hbm>>)
      } else {
      }
      %add3A_106 = arith.constant 1 : i32
      %add3A_107 = arith.addi %add3A_100, %add3A_106 : i32
      %dma_start3A_108 = arith.constant 0 : i32
      %dma_start3A_109 = tpu.memref_slice %arg5[%add3A_107, %dma_start3A_108] : memref<128x4xi32, #tpu.memory_space<vmem>> -> memref<1x4xi32, #tpu.memory_space<vmem>>
      %dma_start3A_110 = tpu.memref_squeeze %dma_start3A_109 : memref<1x4xi32, #tpu.memory_space<vmem>> -> memref<4xi32, #tpu.memory_space<vmem>>
      %dma_start3A_111 = arith.constant 0 : i32
      %dma_start3A_112 = arith.constant 0 : i32
      %dma_start3A_113 = tpu.memref_slice %arg3[%dma_start3A_111, %dma_start3A_112] : memref<8192x8192xf32, #tpu.memory_space<hbm>> -> memref<8192x8192xf32, #tpu.memory_space<hbm>>
      tpu.enqueue_indirect_dma source(%dma_start3A_113 : memref<8192x8192xf32, #tpu.memory_space<hbm>>) target(%arg8 : memref<4x8192xf32, #tpu.memory_space<vmem>>) offsets(%dma_start3A_110 : memref<4xi32, #tpu.memory_space<vmem>>) semaphore(%arg11 : memref<!tpu.dma_semaphore, #tpu.memory_space<semaphore_mem>>)
      %dma_wait3A_114 = arith.constant 0 : i32
      %dma_wait3A_115 = tpu.memref_slice %arg5[%add3A_100, %dma_wait3A_114] : memref<128x4xi32, #tpu.memory_space<vmem>> -> memref<1x4xi32, #tpu.memory_space<vmem>>
      %dma_wait3A_116 = tpu.memref_squeeze %dma_wait3A_115 : memref<1x4xi32, #tpu.memory_space<vmem>> -> memref<4xi32, #tpu.memory_space<vmem>>
      %dma_wait3A_117 = arith.constant 0 : i32
      %dma_wait3A_118 = arith.constant 0 : i32
      %dma_wait3A_119 = tpu.memref_slice %arg3[%dma_wait3A_117, %dma_wait3A_118] : memref<8192x8192xf32, #tpu.memory_space<hbm>> -> memref<8192x8192xf32, #tpu.memory_space<hbm>>
      tpu.wait_indirect_dma semaphore(%arg10 : memref<!tpu.dma_semaphore, #tpu.memory_space<semaphore_mem>>) src(%dma_wait3A_119 : memref<8192x8192xf32, #tpu.memory_space<hbm>>) dst(%arg7 : memref<4x8192xf32, #tpu.memory_space<vmem>>)
      %mul3A_120 = arith.constant 4 : i32
      %mul3A_121 = arith.muli %add3A_100, %mul3A_120 : i32
      %add3A_122 = arith.addi %mul3A_2, %mul3A_121 : i32
      %dma_start3A_123 = arith.constant 0 : i32
      %dma_start3A_124 = tpu.memref_slice %arg4[%add3A_122, %dma_start3A_123] : memref<16384x8192xf32, #tpu.memory_space<hbm>> -> memref<4x8192xf32, #tpu.memory_space<hbm>>
      %dma_start3A_125 = arith.constant 0 : i32
      %dma_start3A_126 = tpu.memref_slice %arg4[%add3A_122, %dma_start3A_125] : memref<16384x8192xf32, #tpu.memory_space<hbm>> -> memref<4x8192xf32, #tpu.memory_space<hbm>>
      tpu.enqueue_dma source(%arg7 : memref<4x8192xf32, #tpu.memory_space<vmem>>) target(%dma_start3A_126 : memref<4x8192xf32, #tpu.memory_space<hbm>>) target_semaphore(%arg13 : memref<!tpu.dma_semaphore, #tpu.memory_space<semaphore_mem>>)
      %add3A_127 = arith.constant 2 : i32
      %add3A_128 = arith.addi %add3A_73, %add3A_127 : i32
      %ge3A_129 = arith.constant 2 : i32
      %ge3A_130 = arith.cmpi sge, %add3A_128, %ge3A_129 : i32
      %convert_element_type3A_131 = arith.extui %ge3A_130 : i1 to i32
      %cond3A_132 = arith.constant 0 : i32
      %cond3A_133 = arith.cmpi ne, %convert_element_type3A_131, %cond3A_132 : i32
      scf.if %cond3A_133 {
        %sub3A = arith.constant 2 : i32
        %sub3A_155 = arith.subi %add3A_128, %sub3A : i32
        %mul3A_156 = arith.constant 4 : i32
        %mul3A_157 = arith.muli %sub3A_155, %mul3A_156 : i32
        %add3A_158 = arith.addi %mul3A_2, %mul3A_157 : i32
        %dma_wait3A_159 = arith.constant 0 : i32
        %dma_wait3A_160 = tpu.memref_slice %arg4[%add3A_158, %dma_wait3A_159] : memref<16384x8192xf32, #tpu.memory_space<hbm>> -> memref<4x8192xf32, #tpu.memory_space<hbm>>
        %dma_wait3A_161 = arith.constant 0 : i32
        %dma_wait3A_162 = tpu.memref_slice %arg4[%add3A_158, %dma_wait3A_161] : memref<16384x8192xf32, #tpu.memory_space<hbm>> -> memref<4x8192xf32, #tpu.memory_space<hbm>>
        tpu.wait_dma2 semaphore(%arg12 : memref<!tpu.dma_semaphore, #tpu.memory_space<semaphore_mem>>) src(%arg6 : memref<4x8192xf32, #tpu.memory_space<vmem>>) dst(%dma_wait3A_162 : memref<4x8192xf32, #tpu.memory_space<hbm>>)
      } else {
      }
      %add3A_134 = arith.constant 1 : i32
      %add3A_135 = arith.addi %add3A_128, %add3A_134 : i32
      %dma_start3A_136 = arith.constant 0 : i32
      %dma_start3A_137 = tpu.memref_slice %arg5[%add3A_135, %dma_start3A_136] : memref<128x4xi32, #tpu.memory_space<vmem>> -> memref<1x4xi32, #tpu.memory_space<vmem>>
      %dma_start3A_138 = tpu.memref_squeeze %dma_start3A_137 : memref<1x4xi32, #tpu.memory_space<vmem>> -> memref<4xi32, #tpu.memory_space<vmem>>
      %dma_start3A_139 = arith.constant 0 : i32
      %dma_start3A_140 = arith.constant 0 : i32
      %dma_start3A_141 = tpu.memref_slice %arg3[%dma_start3A_139, %dma_start3A_140] : memref<8192x8192xf32, #tpu.memory_space<hbm>> -> memref<8192x8192xf32, #tpu.memory_space<hbm>>
      tpu.enqueue_indirect_dma source(%dma_start3A_141 : memref<8192x8192xf32, #tpu.memory_space<hbm>>) target(%arg6 : memref<4x8192xf32, #tpu.memory_space<vmem>>) offsets(%dma_start3A_138 : memref<4xi32, #tpu.memory_space<vmem>>) semaphore(%arg9 : memref<!tpu.dma_semaphore, #tpu.memory_space<semaphore_mem>>)
      %dma_wait3A_142 = arith.constant 0 : i32
      %dma_wait3A_143 = tpu.memref_slice %arg5[%add3A_128, %dma_wait3A_142] : memref<128x4xi32, #tpu.memory_space<vmem>> -> memref<1x4xi32, #tpu.memory_space<vmem>>
      %dma_wait3A_144 = tpu.memref_squeeze %dma_wait3A_143 : memref<1x4xi32, #tpu.memory_space<vmem>> -> memref<4xi32, #tpu.memory_space<vmem>>
      %dma_wait3A_145 = arith.constant 0 : i32
      %dma_wait3A_146 = arith.constant 0 : i32
      %dma_wait3A_147 = tpu.memref_slice %arg3[%dma_wait3A_145, %dma_wait3A_146] : memref<8192x8192xf32, #tpu.memory_space<hbm>> -> memref<8192x8192xf32, #tpu.memory_space<hbm>>
      tpu.wait_indirect_dma semaphore(%arg11 : memref<!tpu.dma_semaphore, #tpu.memory_space<semaphore_mem>>) src(%dma_wait3A_147 : memref<8192x8192xf32, #tpu.memory_space<hbm>>) dst(%arg8 : memref<4x8192xf32, #tpu.memory_space<vmem>>)
      %mul3A_148 = arith.constant 4 : i32
      %mul3A_149 = arith.muli %add3A_128, %mul3A_148 : i32
      %add3A_150 = arith.addi %mul3A_2, %mul3A_149 : i32
      %dma_start3A_151 = arith.constant 0 : i32
      %dma_start3A_152 = tpu.memref_slice %arg4[%add3A_150, %dma_start3A_151] : memref<16384x8192xf32, #tpu.memory_space<hbm>> -> memref<4x8192xf32, #tpu.memory_space<hbm>>
      %dma_start3A_153 = arith.constant 0 : i32
      %dma_start3A_154 = tpu.memref_slice %arg4[%add3A_150, %dma_start3A_153] : memref<16384x8192xf32, #tpu.memory_space<hbm>> -> memref<4x8192xf32, #tpu.memory_space<hbm>>
      tpu.enqueue_dma source(%arg8 : memref<4x8192xf32, #tpu.memory_space<vmem>>) target(%dma_start3A_154 : memref<4x8192xf32, #tpu.memory_space<hbm>>) target_semaphore(%arg14 : memref<!tpu.dma_semaphore, #tpu.memory_space<semaphore_mem>>)
    }
    %scan3A_12 = arith.constant 42 : i32
    %add3A_13 = arith.constant 496 : i32
    %add3A_14 = arith.addi %mul3A_2, %add3A_13 : i32
    %dma_wait3A = arith.constant 0 : i32
    %dma_wait3A_15 = tpu.memref_slice %arg4[%add3A_14, %dma_wait3A] : memref<16384x8192xf32, #tpu.memory_space<hbm>> -> memref<4x8192xf32, #tpu.memory_space<hbm>>
    %dma_wait3A_16 = arith.constant 0 : i32
    %dma_wait3A_17 = tpu.memref_slice %arg4[%add3A_14, %dma_wait3A_16] : memref<16384x8192xf32, #tpu.memory_space<hbm>> -> memref<4x8192xf32, #tpu.memory_space<hbm>>
    tpu.wait_dma2 semaphore(%arg13 : memref<!tpu.dma_semaphore, #tpu.memory_space<semaphore_mem>>) src(%arg7 : memref<4x8192xf32, #tpu.memory_space<vmem>>) dst(%dma_wait3A_17 : memref<4x8192xf32, #tpu.memory_space<hbm>>)
    %dma_start3A_18 = arith.constant 127 : i32
    %dma_start3A_19 = arith.constant 0 : i32
    %dma_start3A_20 = tpu.memref_slice %arg5[%dma_start3A_18, %dma_start3A_19] : memref<128x4xi32, #tpu.memory_space<vmem>> -> memref<1x4xi32, #tpu.memory_space<vmem>>
    %dma_start3A_21 = tpu.memref_squeeze %dma_start3A_20 : memref<1x4xi32, #tpu.memory_space<vmem>> -> memref<4xi32, #tpu.memory_space<vmem>>
    %dma_start3A_22 = arith.constant 0 : i32
    %dma_start3A_23 = arith.constant 0 : i32
    %dma_start3A_24 = tpu.memref_slice %arg3[%dma_start3A_22, %dma_start3A_23] : memref<8192x8192xf32, #tpu.memory_space<hbm>> -> memref<8192x8192xf32, #tpu.memory_space<hbm>>
    tpu.enqueue_indirect_dma source(%dma_start3A_24 : memref<8192x8192xf32, #tpu.memory_space<hbm>>) target(%arg7 : memref<4x8192xf32, #tpu.memory_space<vmem>>) offsets(%dma_start3A_21 : memref<4xi32, #tpu.memory_space<vmem>>) semaphore(%arg10 : memref<!tpu.dma_semaphore, #tpu.memory_space<semaphore_mem>>)
    %dma_wait3A_25 = arith.constant 126 : i32
    %dma_wait3A_26 = arith.constant 0 : i32
    %dma_wait3A_27 = tpu.memref_slice %arg5[%dma_wait3A_25, %dma_wait3A_26] : memref<128x4xi32, #tpu.memory_space<vmem>> -> memref<1x4xi32, #tpu.memory_space<vmem>>
    %dma_wait3A_28 = tpu.memref_squeeze %dma_wait3A_27 : memref<1x4xi32, #tpu.memory_space<vmem>> -> memref<4xi32, #tpu.memory_space<vmem>>
    %dma_wait3A_29 = arith.constant 0 : i32
    %dma_wait3A_30 = arith.constant 0 : i32
    %dma_wait3A_31 = tpu.memref_slice %arg3[%dma_wait3A_29, %dma_wait3A_30] : memref<8192x8192xf32, #tpu.memory_space<hbm>> -> memref<8192x8192xf32, #tpu.memory_space<hbm>>
    tpu.wait_indirect_dma semaphore(%arg9 : memref<!tpu.dma_semaphore, #tpu.memory_space<semaphore_mem>>) src(%dma_wait3A_31 : memref<8192x8192xf32, #tpu.memory_space<hbm>>) dst(%arg6 : memref<4x8192xf32, #tpu.memory_space<vmem>>)
    %add3A_32 = arith.constant 504 : i32
    %add3A_33 = arith.addi %mul3A_2, %add3A_32 : i32
    %dma_start3A_34 = arith.constant 0 : i32
    %dma_start3A_35 = tpu.memref_slice %arg4[%add3A_33, %dma_start3A_34] : memref<16384x8192xf32, #tpu.memory_space<hbm>> -> memref<4x8192xf32, #tpu.memory_space<hbm>>
    %dma_start3A_36 = arith.constant 0 : i32
    %dma_start3A_37 = tpu.memref_slice %arg4[%add3A_33, %dma_start3A_36] : memref<16384x8192xf32, #tpu.memory_space<hbm>> -> memref<4x8192xf32, #tpu.memory_space<hbm>>
    tpu.enqueue_dma source(%arg6 : memref<4x8192xf32, #tpu.memory_space<vmem>>) target(%dma_start3A_37 : memref<4x8192xf32, #tpu.memory_space<hbm>>) target_semaphore(%arg12 : memref<!tpu.dma_semaphore, #tpu.memory_space<semaphore_mem>>)
    %add3A_38 = arith.constant 500 : i32
    %add3A_39 = arith.addi %mul3A_2, %add3A_38 : i32
    %dma_wait3A_40 = arith.constant 0 : i32
    %dma_wait3A_41 = tpu.memref_slice %arg4[%add3A_39, %dma_wait3A_40] : memref<16384x8192xf32, #tpu.memory_space<hbm>> -> memref<4x8192xf32, #tpu.memory_space<hbm>>
    %dma_wait3A_42 = arith.constant 0 : i32
    %dma_wait3A_43 = tpu.memref_slice %arg4[%add3A_39, %dma_wait3A_42] : memref<16384x8192xf32, #tpu.memory_space<hbm>> -> memref<4x8192xf32, #tpu.memory_space<hbm>>
    tpu.wait_dma2 semaphore(%arg14 : memref<!tpu.dma_semaphore, #tpu.memory_space<semaphore_mem>>) src(%arg8 : memref<4x8192xf32, #tpu.memory_space<vmem>>) dst(%dma_wait3A_43 : memref<4x8192xf32, #tpu.memory_space<hbm>>)
    %dma_wait3A_44 = arith.constant 127 : i32
    %dma_wait3A_45 = arith.constant 0 : i32
    %dma_wait3A_46 = tpu.memref_slice %arg5[%dma_wait3A_44, %dma_wait3A_45] : memref<128x4xi32, #tpu.memory_space<vmem>> -> memref<1x4xi32, #tpu.memory_space<vmem>>
    %dma_wait3A_47 = tpu.memref_squeeze %dma_wait3A_46 : memref<1x4xi32, #tpu.memory_space<vmem>> -> memref<4xi32, #tpu.memory_space<vmem>>
    %dma_wait3A_48 = arith.constant 0 : i32
    %dma_wait3A_49 = arith.constant 0 : i32
    %dma_wait3A_50 = tpu.memref_slice %arg3[%dma_wait3A_48, %dma_wait3A_49] : memref<8192x8192xf32, #tpu.memory_space<hbm>> -> memref<8192x8192xf32, #tpu.memory_space<hbm>>
    tpu.wait_indirect_dma semaphore(%arg10 : memref<!tpu.dma_semaphore, #tpu.memory_space<semaphore_mem>>) src(%dma_wait3A_50 : memref<8192x8192xf32, #tpu.memory_space<hbm>>) dst(%arg7 : memref<4x8192xf32, #tpu.memory_space<vmem>>)
    %add3A_51 = arith.constant 508 : i32
    %add3A_52 = arith.addi %mul3A_2, %add3A_51 : i32
    %dma_start3A_53 = arith.constant 0 : i32
    %dma_start3A_54 = tpu.memref_slice %arg4[%add3A_52, %dma_start3A_53] : memref<16384x8192xf32, #tpu.memory_space<hbm>> -> memref<4x8192xf32, #tpu.memory_space<hbm>>
    %dma_start3A_55 = arith.constant 0 : i32
    %dma_start3A_56 = tpu.memref_slice %arg4[%add3A_52, %dma_start3A_55] : memref<16384x8192xf32, #tpu.memory_space<hbm>> -> memref<4x8192xf32, #tpu.memory_space<hbm>>
    tpu.enqueue_dma source(%arg7 : memref<4x8192xf32, #tpu.memory_space<vmem>>) target(%dma_start3A_56 : memref<4x8192xf32, #tpu.memory_space<hbm>>) target_semaphore(%arg13 : memref<!tpu.dma_semaphore, #tpu.memory_space<semaphore_mem>>)
    %add3A_57 = arith.constant 504 : i32
    %add3A_58 = arith.addi %mul3A_2, %add3A_57 : i32
    %dma_wait3A_59 = arith.constant 0 : i32
    %dma_wait3A_60 = tpu.memref_slice %arg4[%add3A_58, %dma_wait3A_59] : memref<16384x8192xf32, #tpu.memory_space<hbm>> -> memref<4x8192xf32, #tpu.memory_space<hbm>>
    %dma_wait3A_61 = arith.constant 0 : i32
    %dma_wait3A_62 = tpu.memref_slice %arg4[%add3A_58, %dma_wait3A_61] : memref<16384x8192xf32, #tpu.memory_space<hbm>> -> memref<4x8192xf32, #tpu.memory_space<hbm>>
    tpu.wait_dma2 semaphore(%arg12 : memref<!tpu.dma_semaphore, #tpu.memory_space<semaphore_mem>>) src(%arg6 : memref<4x8192xf32, #tpu.memory_space<vmem>>) dst(%dma_wait3A_62 : memref<4x8192xf32, #tpu.memory_space<hbm>>)
    %add3A_63 = arith.constant 508 : i32
    %add3A_64 = arith.addi %mul3A_2, %add3A_63 : i32
    %dma_wait3A_65 = arith.constant 0 : i32
    %dma_wait3A_66 = tpu.memref_slice %arg4[%add3A_64, %dma_wait3A_65] : memref<16384x8192xf32, #tpu.memory_space<hbm>> -> memref<4x8192xf32, #tpu.memory_space<hbm>>
    %dma_wait3A_67 = arith.constant 0 : i32
    %dma_wait3A_68 = tpu.memref_slice %arg4[%add3A_64, %dma_wait3A_67] : memref<16384x8192xf32, #tpu.memory_space<hbm>> -> memref<4x8192xf32, #tpu.memory_space<hbm>>
    tpu.wait_dma2 semaphore(%arg13 : memref<!tpu.dma_semaphore, #tpu.memory_space<semaphore_mem>>) src(%arg7 : memref<4x8192xf32, #tpu.memory_space<vmem>>) dst(%dma_wait3A_68 : memref<4x8192xf32, #tpu.memory_space<hbm>>)
    return
  }
}

</mosaic_0001>

<sc_bundles>
// kernel: kernel.3.cloned.1.call-start
scs
__scs_entry_jumppad:
0x0: {  	(pc) =	sbr.rel $0x88, $3  }
0x1: {  	(tag) =	ssettag $0x0;
	lr =	simm.s32 $0x1  }
0x2: {  	[smem:$0x3F9F] =	sst lr;
	_ =	strace $0xD0000000  }
0x3: {  	_ = 	snop  }
0x4: {  	_ = 	snop  }
0x5: {  	_ = 	snop  }
0x6: {  	_ = 	snop  }
0x7: {  	_ = 	snop  }
__scs_overlays_trampoline_lowered:
0x8: {  	[smem:$0x3FAE] =	sst s0  }
0x9: {  	[smem:$0x3FAF] =	sst s1  }
0xa: {  	[smem:$0x3FB0] =	sst s2  }
0xb: {  	[smem:$0x3FB1] =	sst s3  }
0xc: {  	[smem:$0x3FB2] =	sst s4  }
0xd: {  	[smem:$0x3FB3] =	sst s5  }
0xe: {  	[smem:$0x3FB4] =	sst s6  }
0xf: {  	[smem:$0x3FB5] =	sst s7  }
0x10: {  	[smem:$0x3FB6] =	sst s8  }
0x11: {  	[smem:$0x3FB7] =	sst s9;
	s0 =	simm.s32 @!p0 $0x0  }
0x12: {  	s1 =	sld [smem:$0x3F9D];
	s0 =	simm.s32 @p0 $0x1  }
0x13: {  	[smem:$0x3FB8] =	sst s0;
	s0 =	simm.s32 @!p1 $0x0  }
0x14: {  	s2 =	sld [smem:$0x3F9C];
	s0 =	simm.s32 @p1 $0x1  }
0x15: {  	[smem:$0x3FB9] =	sst s0;
	s0 =	simm.s32 @!p2 $0x0  }
0x16: {  	s3 =	sld [smem:$0x3FDB];
	s0 =	simm.s32 @p2 $0x1  }
0x17: {  	s4 =	simm.s32 $0x1BF5;
	[smem:$0x3FBB] =	sst s0  }
0x18: {  	s0 =	sld [smem:$0x3F9E];
	_ =	swait.ge [sflag:s4], $0x0  }
0x19: {  	s7 =	sld [smem:$0x3F9F]  }
0x1a: {  	s8 =	sadd.s32 $0xFFFFE003, lr  }
0x1b: {  	s9 =	sadd.s32 $0xFFFFFEF7, lr;
	s5 =	simm.s32 $0xFFFFFFFF;
	p2 =	slt.u32 s8, $0xFFFFF086  }
0x1c: {  	p1 =	slt.u32 s9, $0xF7A;
	s5 =	simm.s32 @!p2 $0x0  }
0x1d: {  	s5 =	simm.s32 @p1 $0x1;
	p0 =	seq.s32 s7, s2  }
0x1e: {  	s7 =	smul.u32 @!p0 $0xF7A, s2;
	p2 =	seq.s32 @!p0 s5, $0x0  }
0x1f: {  	s9 =	smul.u32 $0xF7A, s1;
	s8 =	simm.s32 @!p0 $0x1BF5;
	p2 =	por !p2, p0  }
0x20: {  	[sflag:s8] =	ssyncset.s32 @!p0 $0xFFFFF086;
	s6 =	sadd.s32 @!p0 s3, s7;
	s7 =	simm.s32 @!p0 $0x108  }
0x21: {  	s3 =	sadd.s32 s3, s9;
	s6 =	sadd.s32 @!p0 $0x88, s6;
	s7 =	simm.s32 @p2 $0x1082  }
0x22: {  	[simem:s7], [sflag:s8] =	dma.local @!p0 [hbm:s6], $0xF7A  }
0x23: {  	s9 =	sor.u32 $0xD0000000, s2;
	s6 =	simm.s32 $0x108;
	_ =	swait.ge @!p0 [sflag:s8], $0x0  }
0x24: {  	s3 =	sadd.s32 $0x88, s3;
	s6 =	simm.s32 @!p1 $0x1082;
	[sflag:s4] =	ssyncset.s32 $0xFFFFF086  }
0x25: {  	[simem:s6], [sflag:s4] =	dma.local [hbm:s3], $0xF7A  }
0x26: {  	[smem:$0x3F9F] =	sst s1;
	(tag) =	ssettag s2;
	_ =	strace s9  }
0x27: {  	s1 =	sld [smem:$0x3FAF]  }
0x28: {  	s2 =	sld [smem:$0x3FB0]  }
0x29: {  	s4 =	sld [smem:$0x3FB2]  }
0x2a: {  	p0 =	seq.s32 s5, $0x0;
	s5 =	sld [smem:$0x3FB3]  }
0x2b: {  	s6 =	sld [smem:$0x3FB4]  }
0x2c: {  	s7 =	sld [smem:$0x3FB5]  }
0x2d: {  	s3 =	simm.s32 $0x108;
	s8 =	sld [smem:$0x3FB6]  }
0x2e: {  	s3 =	simm.s32 @!p0 $0x1082;
	s9 =	sld [smem:$0x3FB7]  }
0x2f: {  	lr =	sadd.s32 s0, s3;
	s0 =	sld [smem:$0x3FAE]  }
0x30: {  	s3 =	sld [smem:$0x3FB1]  }
0x31: {  	[smem:$0x3FBA] =	sst s10  }
0x32: {  	s10 =	sld [smem:$0x3FB8];
	_ =	sdelay $0x3  }
0x33: {  	p0 =	seq.s32 s10, $0x1;
	s10 =	sld [smem:$0x3FBA];
	_ =	sdelay $0x3  }
0x34: {  	[smem:$0x3FBA] =	sst s10  }
0x35: {  	s10 =	sld [smem:$0x3FB9];
	_ =	sdelay $0x3  }
0x36: {  	p1 =	seq.s32 s10, $0x1;
	s10 =	sld [smem:$0x3FBA];
	_ =	sdelay $0x3  }
0x37: {  	[smem:$0x3FBA] =	sst s10  }
0x38: {  	s10 =	sld [smem:$0x3FBB]  }
0x39: {  	_ = 	snop;
	(pc) =	sbr.ind lr, $3  }
0x3a: {  	_ = 	snop  }
0x3b: {  	_ = 	snop  }
0x3c: {  	p2 =	seq.s32 s10, $0x1;
	s10 =	sld [smem:$0x3FBA]  }
0x3d: {  	_ =	shalt  }
0x3e: {  	_ =	shalt  }
0x3f: {  	_ =	shalt  }
0x40: {  	_ =	shalt  }
0x41: {  	_ =	shalt  }
0x42: {  	_ =	shalt  }
0x43: {  	_ =	shalt  }
0x44: {  	_ =	shalt  }
0x45: {  	_ =	shalt  }
0x46: {  	_ =	shalt  }
0x47: {  	_ =	shalt  }
0x48: {  	_ =	shalt  }
0x49: {  	_ =	shalt  }
0x4a: {  	_ =	shalt  }
0x4b: {  	_ =	shalt  }
0x4c: {  	_ =	shalt  }
0x4d: {  	_ =	shalt  }
0x4e: {  	_ =	shalt  }
0x4f: {  	_ =	shalt  }
0x50: {  	_ =	shalt  }
0x51: {  	_ =	shalt  }
0x52: {  	_ =	shalt  }
0x53: {  	_ =	shalt  }
0x54: {  	_ =	shalt  }
0x55: {  	_ =	shalt  }
0x56: {  	_ =	shalt  }
0x57: {  	_ =	shalt  }
0x58: {  	_ =	shalt  }
0x59: {  	_ =	shalt  }
0x5a: {  	_ =	shalt  }
0x5b: {  	_ =	shalt  }
0x5c: {  	_ =	shalt  }
0x5d: {  	_ =	shalt  }
0x5e: {  	_ =	shalt  }
0x5f: {  	_ =	shalt  }
0x60: {  	_ =	shalt  }
0x61: {  	_ =	shalt  }
0x62: {  	_ =	shalt  }
0x63: {  	_ =	shalt  }
0x64: {  	_ =	shalt  }
0x65: {  	_ =	shalt  }
0x66: {  	_ =	shalt  }
0x67: {  	_ =	shalt  }
0x68: {  	_ =	shalt  }
0x69: {  	_ =	shalt  }
0x6a: {  	_ =	shalt  }
0x6b: {  	_ =	shalt  }
0x6c: {  	_ =	shalt  }
0x6d: {  	_ =	shalt  }
0x6e: {  	_ =	shalt  }
0x6f: {  	_ =	shalt  }
0x70: {  	_ =	shalt  }
0x71: {  	_ =	shalt  }
0x72: {  	_ =	shalt  }
0x73: {  	_ =	shalt  }
0x74: {  	_ =	shalt  }
0x75: {  	_ =	shalt  }
0x76: {  	_ =	shalt  }
0x77: {  	_ =	shalt  }
0x78: {  	_ =	shalt  }
0x79: {  	_ =	shalt  }
0x7a: {  	_ =	shalt  }
0x7b: {  	_ =	shalt  }
0x7c: {  	_ =	shalt  }
0x7d: {  	_ =	shalt  }
0x7e: {  	_ =	shalt  }
0x7f: {  	_ =	shalt  }
0x80: {  	_ =	shalt  }
0x81: {  	_ =	shalt  }
0x82: {  	_ =	shalt  }
0x83: {  	_ =	shalt  }
0x84: {  	_ =	shalt  }
0x85: {  	_ =	shalt  }
0x86: {  	_ =	shalt  }
0x87: {  	_ =	shalt  }
.Lfunc_end0:
.L_simem_size_0:
called_computation_lowered:
.L_overlay_start_0:
0x88: {  	s2 =	sld [smem:$0x3FD9]  }
0x89: {  	s3 =	sld [smem:$0x3FFE];
	_ =	sdelay $0x1  }
0x8a: {  	s1 =	srdreg.scid  }
0x8b: {  	s0 =	sand.u32 $0x1, s1  }
0x8c: {  	s17 =	sshll.u32 s0, $0xA;
	s2 =	sadd.s32 s3, s2  }
0x8d: {  	s2 =	sadd.s32 s2, s17  }
0x8e: {  	[smem:$0x3FC6] =	sst s2  }
0x8f: {  	_ = 	snop  }
0x90: {  	s2 =	sld [smem:$0x3FC8]  }
0x91: {  	s18 =	sld [smem:$0x3FD0];
	(tm) =	ssettm $0x1  }
0x92: {  	s4 =	sld [smem:$0x3FFB];
	_ =	sdelay $0x3  }
0x93: {  	_ =	strace s4  }
0x94: {  	s4 =	sld [smem:$0x3FFC];
	_ =	sdelay $0x3  }
0x95: {  	_ =	strace s4  }
0x96: {  	s4 =	sld [smem:$0x3FFD];
	_ =	sdelay $0x3  }
0x97: {  	_ =	strace s4  }
0x98: {  	_ =	strace $0x8FFFFFFF  }
0x99: {  	s19 =	sld [smem:$0x3FDB];
	_ =	sdelay $0x1  }
0x9a: {  	s5 =	simm.s32 $_scs_section_size  }
0x9b: {  	s6 =	simm.s32 $_size__tile_overlayer_lowered;
	s7 =	simm.s32 $_tile_overlayer_lowered  }
0x9c: {  	s22 =	simm.s32 $0x1BFF;
	s21 =	sshll.u32 s7, $0x1;
	s4 =	sadd.s32 s5, s19  }
0x9d: {  	s8 =	simm.s32 $0x0;
	s20 =	sshll.u32 s6, $0x1;
	s6 =	sadd.s32 s21, s4  }
0x9e: {  	[timem:s8], [sflag:s22] =	dma.local [hbm:s6], s20  }
0x9f: {  	_ =	swait.ge [sflag:s22], s20  }
0xa0: {  	s5 =	ssub.s32 $0x0, s20;
	[sflag:s22] =	ssyncset.done $0x0  }
0xa1: {  	[sflag:s22] =	ssyncadd.s32 s5;
	_ =	sdelay $0x1  }
0xa2: {  	s23 =	simm.s32 $0x1B8B  }
0xa3: {  	_ =	swait.ge [sflag:s23], $0x1  }
0xa4: {  	[sflag:s23] =	ssyncset.done $0x0  }
0xa5: {  	s25 =	simm.s32 $0x1B8E;
	s24 =	sld [smem:$0x3FFE];
	[sflag:s23] =	ssyncadd.s32 $0xFFFFFFFF  }
0xa6: {  	s26 =	simm.s32 $execute0_lowered;
	[smem:$0x3FD2] =	sst s25  }
0xa7: {  	s6 =	sshll.u32 s26, $0x1;
	_ =	strace $0x80000046;
	[dreg:$0x1] =	wrdreg $0xFFFFFFFF  }
0xa8: {  	s28 =	simm.s32 $_size_execute0_lowered;
	s4 =	sadd.s32 s4, s6;
	[dreg:$0x0] =	wrdreg $0x0  }
0xa9: {  	s6 =	sshll.u32 s28, $0x1;
	[dreg:$0x2] =	wrdreg s4  }
0xaa: {  	[dreg:$0x3] =	wrdreg s6  }
0xab: {  	[dreg:$0x4] =	wrdreg $0xC0  }
0xac: {  	_ =	task [dreg:s8], $0x5FFFF  }
0xad: {  	[dreg:$0x1] =	wrdreg $0xFFFFFFFF  }
0xae: {  	[dreg:$0x0] =	wrdreg $0x60  }
0xaf: {  	[dreg:$0x2] =	wrdreg s24  }
0xb0: {  	[dreg:$0x3] =	wrdreg s2  }
0xb1: {  	[dreg:$0x4] =	wrdreg s18  }
0xb2: {  	[dreg:$0x5] =	wrdreg $0x9  }
0xb3: {  	_ =	task.clear_ibuf [dreg:s8], $0x6FFFF;
	_ =	strace $0x90000046  }
0xb4: {  	s29 =	simm.s32 $0x9;
	_ =	strace $0x80000048  }
0xb5: {  	_ =	swait.ge [sflag:s29], $0x1  }
0xb6: {  	[sflag:s29] =	ssyncadd.s32 $0xFFFFFFFF  }
0xb7: {  	_ =	strace $0x90000048  }
0xb8: {  	_ =	sfence  }
0xb9: {  	s30 =	sld [smem:$0x0];
	_ =	sdelay $0x2  }
0xba: {  	s31 =	sshll.u32 s1, $0xD;
	s1 =	sshrl.u32 s1, $0x2  }
0xbb: {  	s3 =	sand.u32 $0x4000, s31;
	s1 =	sadd.s32 s1, s30  }
0xbc: {  	s0 =	sor.u32 s3, s0;
	s1 =	sshll.u32 s1, $0x11  }
0xbd: {  	s0 =	sor.u32 s1, s0  }
0xbe: {  	s0 =	sadd.s32 $0x8F2B, s0  }
0xbf: {  	[sflag:s0] =	ssyncadd.remote.s32 $0x1  }
0xc0: {  	_ =	sfence.sel $0xFFFF  }
0xc1: {  	[dreg:$0x0] =	wrdreg $0xFFFFFFFF;
	(pc) =	sbr.abs _section_cstart, $3  }
0xc2: {  	[dreg:$0x1] =	wrdreg $0xFFFFFFFF  }
0xc3: {  	_ =	task.clear_ibuf [dreg:s8], $0x2FFFF;
	_ =	strace $0x9FFFFFFF  }
0xc4: {  	(tm) =	ssettm $0x7FFFFFFF  }
0xc5: {  	_ =	shalt  }
tec
execute0_lowered:
.L_overlay_start_1:
0x0: {  	(tag) =	ssettag $0x1  }
0x1: {  	s0 =	rddreg [dreg:$0x0]  }
0x2: {  	s2 =	rddreg [dreg:$0x1]  }
0x3: {  	s24 =	rddreg [dreg:$0x2];
	s4 =	simm.s32 $0x0  }
0x4: {  	[smem:$0x7FF] =	sst s4;
	s12 =	sadd.s32 $0x200, s2  }
0x5: {  	s13 =	sadd.s32 $0x400, s2;
	_ =	strace $0x80000047;
	[dreg:$0x19] =	wrdreg s12  }
0x6: {  	s15 =	sadd.s32 $0x600, s2;
	[dreg:$0x1a] =	wrdreg s13  }
0x7: {  	s16 =	sadd.s32 $0x800, s2;
	[dreg:$0x1b] =	wrdreg s15  }
0x8: {  	s17 =	sadd.s32 $0xA00, s2;
	[dreg:$0x1c] =	wrdreg s16  }
0x9: {  	s19 =	sadd.s32 $0xC00, s2;
	[dreg:$0x1d] =	wrdreg s17  }
0xa: {  	s18 =	simm.s32 $0x14800;
	[dreg:$0x1e] =	wrdreg s19  }
0xb: {  	s21 =	sadd.s32 $0xE00, s2;
	[dreg:$0x5] =	wrdreg s18  }
0xc: {  	s20 =	simm.s32 $0x15000;
	[dreg:$0x1f] =	wrdreg s21  }
0xd: {  	s23 =	sadd.s32 $0x1000, s2;
	[dreg:$0x6] =	wrdreg s20  }
0xe: {  	s22 =	simm.s32 $0x15800;
	[smem:$0x7F6] =	sst s23  }
0xf: {  	s26 =	sadd.s32 $0x1200, s2;
	[dreg:$0x7] =	wrdreg s22  }
0x10: {  	s25 =	simm.s32 $0x16000;
	[smem:$0x7F7] =	sst s26  }
0x11: {  	s8 =	stileid.u32;
	s7 =	sadd.s32 $0x1400, s2;
	[dreg:$0x8] =	wrdreg s25  }
0x12: {  	s3 =	sshll.u32 s8, $0x1;
	s9 =	sadd.s32 $0x1600, s2;
	[smem:$0x7F8] =	sst s7  }
0x13: {  	s14 =	sshll.u32 s8, $0x14;
	s8 =	simm.s32 $0x17000;
	[smem:$0x7F9] =	sst s9  }
0x14: {  	s1 =	srdreg.scid;
	s10 =	simm.s32 $0x17800;
	[dreg:$0xa] =	wrdreg s8  }
0x15: {  	s30 =	simm.s32 $0x5800;
	[dreg:$0xb] =	wrdreg s10;
	s13 =	sadd.s32 $0x1A00, s2  }
0x16: {  	s31 =	simm.s32 $0x8000;
	s12 =	simm.s32 $0x18000;
	[smem:$0x7FB] =	sst s13  }
0x17: {  	s28 =	simm.s32 $0x200;
	s15 =	sadd.s32 $0x1C00, s2;
	[dreg:$0xc] =	wrdreg s12  }
0x18: {  	s29 =	simm.s32 $0x400;
	s17 =	sadd.s32 $0x1E00, s2;
	[smem:$0x7FC] =	sst s15  }
0x19: {  	s1 =	sand.u32 $0x1, s1;
	s16 =	simm.s32 $0x19000;
	[smem:$0x7FD] =	sst s17  }
0x1a: {  	s3 =	sor.u32 s1, s3;
	s18 =	simm.s32 $0x19800;
	[dreg:$0xe] =	wrdreg s16  }
0x1b: {  	s6 =	ssub.s32 $0x2, s1;
	s20 =	simm.s32 $0x1A000;
	[dreg:$0xf] =	wrdreg s18  }
0x1c: {  	s1 =	sshll.u32 s1, $0x13;
	s21 =	simm.s32 $0x1A800;
	[dreg:$0x10] =	wrdreg s20  }
0x1d: {  	s23 =	simm.s32 $0x1B000;
	s25 =	simm.s32 $0x1B800;
	[dreg:$0x11] =	wrdreg s21  }
0x1e: {  	s5 =	sshll.u32 s3, $0xB;
	s11 =	sshrl.u32 s6, $0x1;
	[dreg:$0x12] =	wrdreg s23  }
0x1f: {  	s19 =	sshll.u32 s3, $0x13;
	[dreg:$0x13] =	wrdreg s25;
	s21 =	simm.s32 $0x4800  }
0x20: {  	s0 =	sadd.s32 s5, s0;
	s5 =	ssub.s32 s6, s11;
	s6 =	simm.s32 $0x16800  }
0x21: {  	s3 =	simm.s32 $0x6800;
	s11 =	sadd.s32 $0x1800, s2;
	[dreg:$0x9] =	wrdreg s6  }
0x22: {  	s25 =	simm.s32 $0x7800;
	s0 =	sadd.s32 $0x400, s0;
	[smem:$0x7FA] =	sst s11  }
0x23: {  	s23 =	simm.s32 $0x0;
	s26 =	smax.u32 s5, $0x1;
	[dreg:$0x14] =	wrdreg s0  }
0x24: {  	s2 =	simm.s32 $0x4000;
	s0 =	sor.u32 s1, s14;
	[dreg:$0x17] =	wrdreg s26  }
0x25: {  	s14 =	simm.s32 $0x18800;
	s1 =	sadd.s32 s19, s24;
	[dreg:$0x4] =	wrdreg s0  }
0x26: {  	v0 =	vlaneseq.u32;
	s5 =	simm.s32 $0x7000;
	[dreg:$0xd] =	wrdreg s14;
	s22 =	sadd.s32 $0x7E000, s1  }
0x27: {  	v1 =	vshrl.u32 v0, $0x2;
	s26 =	simm.s32 $0xC000;
	s1 =	sadd.s32 $0x7E040, s1;
	[dreg:$0x15] =	wrdreg s22  }
0x28: {  	vm0 =	vmmov $0xffff;
	v0 =	vand.u32 $0x3, v0;
	v1 =	vmul.u32 $0x8, v1;
	[dreg:$0x16] =	wrdreg s1;
	s22 =	simm.s32 $0x5000;
	s1 =	simm.s32 $0x6000  }
.LBB2_1:
0x29: {  	[dreg:$0x18] =	wrdreg s23  }
0x2a: {  	s0 =	rddreg [dreg:$0x14];
	s20 =	simm.s32 $0x7  }
0x2b: {  	[tilespmem:s4], [sflag:$0x7] =	stream.linear.gather [hbm4b:s0+s4], $0x4000, $0x38;
	[tilespmem:$0x1C000] =	vst v63  }
0x2c: {  	_ =	swait.ge [sflag:s20], $0x4000  }
0x2d: {  	[sflag:s20] =	ssyncset.done $0x0  }
0x2e: {  	[sflag:s20] =	ssyncadd.s32 $0xFFFFC000  }
0x2f: {  	v2 =	vld.msk [tilespmem:$0x0], $0xf;
	_ =	sdelay $0x4  }
0x30: {  	v3 =	vshll.u32 v2, $0x6  }
0x31: {  	v2 =	vand.u32 $0x7, v2;
	v3 =	vand.u32 $0xFFFFFE00, v3  }
0x32: {  	v2 =	vor.u32 v2, v3  }
0x33: {  	v2 =	vperm.xlane v2, v0;
	_ =	sdelay $0x1  }
0x34: {  	v2 =	vadd.s32 v1, v2;
	_ =	sdelay $0x2  }
0x35: {  	s23 =	rddreg [dreg:$0x19]  }
0x36: {  	s0 =	rddreg [dreg:$0x1]  }
0x37: {  	[tilespmem:s2], [sflag:$0x1] =	stream.indirect_vreg.gather [hbm4b:s0+s4], $0x80, v2, vm0, $0xb8;
	[tilespmem:$0x1C000] =	vst v63  }
0x38: {  	s6 =	rddreg [dreg:$0x1b]  }
0x39: {  	[tilespmem:s21], [sflag:$0x1] =	stream.indirect_vreg.gather [hbm4b:s23+s4], $0x80, v2, vm0, $0xb8;
	[tilespmem:$0x1C000] =	vst v63  }
0x3a: {  	s2 =	rddreg [dreg:$0x1a]  }
0x3b: {  	[tilespmem:s22], [sflag:$0x1] =	stream.indirect_vreg.gather [hbm4b:s2+s4], $0x80, v2, vm0, $0xb8;
	[tilespmem:$0x1C000] =	vst v63  }
0x3c: {  	s7 =	rddreg [dreg:$0x1c]  }
0x3d: {  	[tilespmem:s30], [sflag:$0x1] =	stream.indirect_vreg.gather [hbm4b:s6+s4], $0x80, v2, vm0, $0xb8;
	[tilespmem:$0x1C000] =	vst v63  }
0x3e: {  	s8 =	rddreg [dreg:$0x1d]  }
0x3f: {  	[tilespmem:s1], [sflag:$0x1] =	stream.indirect_vreg.gather [hbm4b:s7+s4], $0x80, v2, vm0, $0xb8;
	[tilespmem:$0x1C000] =	vst v63  }
0x40: {  	s9 =	rddreg [dreg:$0x1e]  }
0x41: {  	[tilespmem:s3], [sflag:$0x1] =	stream.indirect_vreg.gather [hbm4b:s8+s4], $0x80, v2, vm0, $0xb8;
	[tilespmem:$0x1C000] =	vst v63  }
0x42: {  	s10 =	rddreg [dreg:$0x1f]  }
0x43: {  	[tilespmem:s5], [sflag:$0x1] =	stream.indirect_vreg.gather [hbm4b:s9+s4], $0x80, v2, vm0, $0xb8;
	[tilespmem:$0x1C000] =	vst v63  }
0x44: {  	s11 =	sld [smem:$0x7F6]  }
0x45: {  	[tilespmem:s25], [sflag:$0x1] =	stream.indirect_vreg.gather [hbm4b:s10+s4], $0x80, v2, vm0, $0xb8;
	[tilespmem:$0x1C000] =	vst v63  }
0x46: {  	s13 =	sld [smem:$0x7F7]  }
0x47: {  	[tilespmem:s31], [sflag:$0x1] =	stream.indirect_vreg.gather [hbm4b:s11+s4], $0x80, v2, vm0, $0xb8;
	[tilespmem:$0x1C000] =	vst v63  }
0x48: {  	s12 =	simm.s32 $0x8800;
	s15 =	sld [smem:$0x7F8]  }
0x49: {  	[tilespmem:s12], [sflag:$0x1] =	stream.indirect_vreg.gather [hbm4b:s13+s4], $0x80, v2, vm0, $0xb8;
	[tilespmem:$0x1C000] =	vst v63  }
0x4a: {  	s14 =	simm.s32 $0x9000;
	s17 =	sld [smem:$0x7F9]  }
0x4b: {  	[tilespmem:s14], [sflag:$0x1] =	stream.indirect_vreg.gather [hbm4b:s15+s4], $0x80, v2, vm0, $0xb8;
	[tilespmem:$0x1C000] =	vst v63  }
0x4c: {  	s16 =	simm.s32 $0x9800;
	s19 =	sld [smem:$0x7FA]  }
0x4d: {  	[tilespmem:s16], [sflag:$0x1] =	stream.indirect_vreg.gather [hbm4b:s17+s4], $0x80, v2, vm0, $0xb8;
	[tilespmem:$0x1C000] =	vst v63  }
0x4e: {  	s18 =	simm.s32 $0xA000;
	s21 =	sld [smem:$0x7FB]  }
0x4f: {  	[tilespmem:s18], [sflag:$0x1] =	stream.indirect_vreg.gather [hbm4b:s19+s4], $0x80, v2, vm0, $0xb8;
	[tilespmem:$0x1C000] =	vst v63  }
0x50: {  	s20 =	simm.s32 $0xA800;
	s0 =	simm.s32 $0x0;
	s23 =	sld [smem:$0x7FC]  }
0x51: {  	[tilespmem:s20], [sflag:$0x1] =	stream.indirect_vreg.gather [hbm4b:s21+s4], $0x80, v2, vm0, $0xb8;
	[tilespmem:$0x1C000] =	vst v63  }
0x52: {  	s22 =	simm.s32 $0xB000;
	s30 =	sld [smem:$0x7FD];
	s1 =	simm.s32 $0x40  }
0x53: {  	[tilespmem:s22], [sflag:$0x1] =	stream.indirect_vreg.gather [hbm4b:s23+s4], $0x80, v2, vm0, $0xb8;
	[tilespmem:$0x1C000] =	vst v63  }
0x54: {  	s5 =	simm.s32 $0x0;
	s25 =	simm.s32 $0xB800;
	s31 =	simm.s32 $0x100  }
0x55: {  	[tilespmem:s25], [sflag:$0x1] =	stream.indirect_vreg.gather [hbm4b:s30+s4], $0x80, v2, vm0, $0xb8;
	[tilespmem:$0x1C000] =	vst v63  }
.LBB2_2:
0x56: {  	p0 =	seq.s32 s5, $0x0  }
0x57: {  	s3 =	simm.s32 @!p0 $0x5  }
0x58: {  	_ =	swait.ge @!p0 [sflag:s3], $0x8000  }
0x59: {  	[sflag:s3] =	ssyncset.done @!p0 $0x0  }
0x5a: {  	[sflag:s3] =	ssyncadd.s32 @!p0 $0xFFFF8000  }
0x5b: {  	v2 =	vld.msk [tilespmem:s31+$0xFFFFFF80], $0xf;
	_ =	sdelay $0x4  }
0x5c: {  	v3 =	vshll.u32 v2, $0x6  }
0x5d: {  	v2 =	vand.u32 $0x7, v2;
	v3 =	vand.u32 $0xFFFFFE00, v3  }
0x5e: {  	v2 =	vor.u32 v2, v3  }
0x5f: {  	v2 =	vperm.xlane v2, v0;
	_ =	sdelay $0x1  }
0x60: {  	v2 =	vadd.s32 v1, v2;
	_ =	sdelay $0x2  }
0x61: {  	s7 =	rddreg [dreg:$0x19]  }
0x62: {  	s22 =	rddreg [dreg:$0x1]  }
0x63: {  	[tilespmem:s26], [sflag:$0x2] =	stream.indirect_vreg.gather [hbm4b:s22+s4], $0x80, v2, vm0, $0xb8;
	[tilespmem:$0x1C000] =	vst v63  }
0x64: {  	s2 =	simm.s32 $0xC800;
	s8 =	rddreg [dreg:$0x1a]  }
0x65: {  	[tilespmem:s2], [sflag:$0x2] =	stream.indirect_vreg.gather [hbm4b:s7+s4], $0x80, v2, vm0, $0xb8;
	[tilespmem:$0x1C000] =	vst v63  }
0x66: {  	s12 =	simm.s32 $0xD000;
	s9 =	rddreg [dreg:$0x1b]  }
0x67: {  	[tilespmem:s12], [sflag:$0x2] =	stream.indirect_vreg.gather [hbm4b:s8+s4], $0x80, v2, vm0, $0xb8;
	[tilespmem:$0x1C000] =	vst v63  }
0x68: {  	s13 =	simm.s32 $0xD800;
	s10 =	rddreg [dreg:$0x1c]  }
0x69: {  	[tilespmem:s13], [sflag:$0x2] =	stream.indirect_vreg.gather [hbm4b:s9+s4], $0x80, v2, vm0, $0xb8;
	[tilespmem:$0x1C000] =	vst v63  }
0x6a: {  	s14 =	simm.s32 $0xE000;
	s11 =	rddreg [dreg:$0x1d]  }
0x6b: {  	[tilespmem:s14], [sflag:$0x2] =	stream.indirect_vreg.gather [hbm4b:s10+s4], $0x80, v2, vm0, $0xb8;
	[tilespmem:$0x1C000] =	vst v63  }
0x6c: {  	s15 =	simm.s32 $0xE800;
	s12 =	rddreg [dreg:$0x1e]  }
0x6d: {  	[tilespmem:s15], [sflag:$0x2] =	stream.indirect_vreg.gather [hbm4b:s11+s4], $0x80, v2, vm0, $0xb8;
	[tilespmem:$0x1C000] =	vst v63  }
0x6e: {  	s16 =	simm.s32 $0xF000;
	s13 =	rddreg [dreg:$0x1f]  }
0x6f: {  	[tilespmem:s16], [sflag:$0x2] =	stream.indirect_vreg.gather [hbm4b:s12+s4], $0x80, v2, vm0, $0xb8;
	[tilespmem:$0x1C000] =	vst v63  }
0x70: {  	s17 =	simm.s32 $0xF800;
	s14 =	sld [smem:$0x7F6]  }
0x71: {  	[tilespmem:s17], [sflag:$0x2] =	stream.indirect_vreg.gather [hbm4b:s13+s4], $0x80, v2, vm0, $0xb8;
	[tilespmem:$0x1C000] =	vst v63  }
0x72: {  	s18 =	simm.s32 $0x10000;
	s15 =	sld [smem:$0x7F7]  }
0x73: {  	[tilespmem:s18], [sflag:$0x2] =	stream.indirect_vreg.gather [hbm4b:s14+s4], $0x80, v2, vm0, $0xb8;
	[tilespmem:$0x1C000] =	vst v63  }
0x74: {  	s19 =	simm.s32 $0x10800;
	s16 =	sld [smem:$0x7F8]  }
0x75: {  	[tilespmem:s19], [sflag:$0x2] =	stream.indirect_vreg.gather [hbm4b:s15+s4], $0x80, v2, vm0, $0xb8;
	[tilespmem:$0x1C000] =	vst v63  }
0x76: {  	s20 =	simm.s32 $0x11000;
	s17 =	sld [smem:$0x7F9]  }
0x77: {  	[tilespmem:s20], [sflag:$0x2] =	stream.indirect_vreg.gather [hbm4b:s16+s4], $0x80, v2, vm0, $0xb8;
	[tilespmem:$0x1C000] =	vst v63  }
0x78: {  	s21 =	simm.s32 $0x11800;
	s18 =	sld [smem:$0x7FA]  }
0x79: {  	[tilespmem:s21], [sflag:$0x2] =	stream.indirect_vreg.gather [hbm4b:s17+s4], $0x80, v2, vm0, $0xb8;
	[tilespmem:$0x1C000] =	vst v63  }
0x7a: {  	s23 =	simm.s32 $0x12000;
	s19 =	sld [smem:$0x7FB]  }
0x7b: {  	[tilespmem:s23], [sflag:$0x2] =	stream.indirect_vreg.gather [hbm4b:s18+s4], $0x80, v2, vm0, $0xb8;
	[tilespmem:$0x1C000] =	vst v63  }
0x7c: {  	s25 =	simm.s32 $0x12800;
	s20 =	sld [smem:$0x7FC]  }
0x7d: {  	[tilespmem:s25], [sflag:$0x2] =	stream.indirect_vreg.gather [hbm4b:s19+s4], $0x80, v2, vm0, $0xb8;
	[tilespmem:$0x1C000] =	vst v63  }
0x7e: {  	s3 =	simm.s32 $0x13000;
	s23 =	sld [smem:$0x7FD]  }
0x7f: {  	[tilespmem:s3], [sflag:$0x2] =	stream.indirect_vreg.gather [hbm4b:s20+s4], $0x80, v2, vm0, $0xb8;
	[tilespmem:$0x1C000] =	vst v63  }
0x80: {  	s6 =	simm.s32 $0x13800;
	s21 =	simm.s32 $0x1  }
0x81: {  	[tilespmem:s6], [sflag:$0x2] =	stream.indirect_vreg.gather [hbm4b:s23+s4], $0x80, v2, vm0, $0xb8;
	[tilespmem:$0x1C000] =	vst v63  }
0x82: {  	_ =	swait.ge [sflag:s21], $0x8000  }
0x83: {  	s25 =	rddreg [dreg:$0x4]  }
0x84: {  	s3 =	sadd.s32 s5, s25;
	s25 =	sand.u32 $0x40, s0  }
0x85: {  	[sflag:s21] =	ssyncset.done $0x0;
	s30 =	sand.u32 $0x1FFE000, s3;
	s25 =	sadd.s32 s24, s25  }
0x86: {  	[sflag:s21] =	ssyncadd.s32 $0xFFFF8000;
	s21 =	simm.s32 $0x4000;
	s30 =	sadd.s32 s30, s25  }
0x87: {  	[hbm4b:s30+s28] =	stream.strided.scatter [tilespmem:s21], [sflag:$0x4], $0x8000, s29, s28, $0x38;
	[tilespmem:$0x1C000] =	vst v63  }
0x88: {  	s30 =	simm.s32 @!p0 $0x6  }
0x89: {  	_ =	swait.ge @!p0 [sflag:s30], $0x8000  }
0x8a: {  	[sflag:s30] =	ssyncset.done @!p0 $0x0  }
0x8b: {  	[sflag:s30] =	ssyncadd.s32 @!p0 $0xFFFF8000  }
0x8c: {  	v2 =	vld.msk [tilespmem:s31+$0x0], $0xf;
	_ =	sdelay $0x4  }
0x8d: {  	v3 =	vshll.u32 v2, $0x6  }
0x8e: {  	v2 =	vand.u32 $0x7, v2;
	v3 =	vand.u32 $0xFFFFFE00, v3  }
0x8f: {  	v2 =	vor.u32 v2, v3  }
0x90: {  	v2 =	vperm.xlane v2, v0;
	_ =	sdelay $0x1  }
0x91: {  	v2 =	vadd.s32 v1, v2;
	_ =	sdelay $0x3  }
0x92: {  	s6 =	simm.s32 $0x14000  }
0x93: {  	[tilespmem:s6], [sflag:$0x3] =	stream.indirect_vreg.gather [hbm4b:s22+s4], $0x80, v2, vm0, $0xb8;
	[tilespmem:$0x1C000] =	vst v63  }
0x94: {  	s30 =	rddreg [dreg:$0x5]  }
0x95: {  	[tilespmem:s30], [sflag:$0x3] =	stream.indirect_vreg.gather [hbm4b:s7+s4], $0x80, v2, vm0, $0xb8;
	[tilespmem:$0x1C000] =	vst v63  }
0x96: {  	s6 =	rddreg [dreg:$0x6]  }
0x97: {  	[tilespmem:s6], [sflag:$0x3] =	stream.indirect_vreg.gather [hbm4b:s8+s4], $0x80, v2, vm0, $0xb8;
	[tilespmem:$0x1C000] =	vst v63  }
0x98: {  	s30 =	rddreg [dreg:$0x7]  }
0x99: {  	[tilespmem:s30], [sflag:$0x3] =	stream.indirect_vreg.gather [hbm4b:s9+s4], $0x80, v2, vm0, $0xb8;
	[tilespmem:$0x1C000] =	vst v63  }
0x9a: {  	s6 =	rddreg [dreg:$0x8]  }
0x9b: {  	[tilespmem:s6], [sflag:$0x3] =	stream.indirect_vreg.gather [hbm4b:s10+s4], $0x80, v2, vm0, $0xb8;
	[tilespmem:$0x1C000] =	vst v63  }
0x9c: {  	s30 =	rddreg [dreg:$0x9]  }
0x9d: {  	[tilespmem:s30], [sflag:$0x3] =	stream.indirect_vreg.gather [hbm4b:s11+s4], $0x80, v2, vm0, $0xb8;
	[tilespmem:$0x1C000] =	vst v63  }
0x9e: {  	s6 =	rddreg [dreg:$0xa]  }
0x9f: {  	[tilespmem:s6], [sflag:$0x3] =	stream.indirect_vreg.gather [hbm4b:s12+s4], $0x80, v2, vm0, $0xb8;
	[tilespmem:$0x1C000] =	vst v63  }
0xa0: {  	s30 =	rddreg [dreg:$0xb]  }
0xa1: {  	[tilespmem:s30], [sflag:$0x3] =	stream.indirect_vreg.gather [hbm4b:s13+s4], $0x80, v2, vm0, $0xb8;
	[tilespmem:$0x1C000] =	vst v63  }
0xa2: {  	s6 =	rddreg [dreg:$0xc]  }
0xa3: {  	[tilespmem:s6], [sflag:$0x3] =	stream.indirect_vreg.gather [hbm4b:s14+s4], $0x80, v2, vm0, $0xb8;
	[tilespmem:$0x1C000] =	vst v63  }
0xa4: {  	s30 =	rddreg [dreg:$0xd]  }
0xa5: {  	[tilespmem:s30], [sflag:$0x3] =	stream.indirect_vreg.gather [hbm4b:s15+s4], $0x80, v2, vm0, $0xb8;
	[tilespmem:$0x1C000] =	vst v63  }
0xa6: {  	s6 =	rddreg [dreg:$0xe]  }
0xa7: {  	[tilespmem:s6], [sflag:$0x3] =	stream.indirect_vreg.gather [hbm4b:s16+s4], $0x80, v2, vm0, $0xb8;
	[tilespmem:$0x1C000] =	vst v63  }
0xa8: {  	s30 =	rddreg [dreg:$0xf]  }
0xa9: {  	[tilespmem:s30], [sflag:$0x3] =	stream.indirect_vreg.gather [hbm4b:s17+s4], $0x80, v2, vm0, $0xb8;
	[tilespmem:$0x1C000] =	vst v63  }
0xaa: {  	s6 =	rddreg [dreg:$0x10]  }
0xab: {  	[tilespmem:s6], [sflag:$0x3] =	stream.indirect_vreg.gather [hbm4b:s18+s4], $0x80, v2, vm0, $0xb8;
	[tilespmem:$0x1C000] =	vst v63  }
0xac: {  	s30 =	rddreg [dreg:$0x11]  }
0xad: {  	[tilespmem:s30], [sflag:$0x3] =	stream.indirect_vreg.gather [hbm4b:s19+s4], $0x80, v2, vm0, $0xb8;
	[tilespmem:$0x1C000] =	vst v63  }
0xae: {  	s6 =	rddreg [dreg:$0x12]  }
0xaf: {  	[tilespmem:s6], [sflag:$0x3] =	stream.indirect_vreg.gather [hbm4b:s20+s4], $0x80, v2, vm0, $0xb8;
	[tilespmem:$0x1C000] =	vst v63  }
0xb0: {  	s2 =	smov.u32 s24;
	s30 =	rddreg [dreg:$0x13];
	s6 =	simm.s32 $0x2  }
0xb1: {  	[tilespmem:s30], [sflag:$0x3] =	stream.indirect_vreg.gather [hbm4b:s23+s4], $0x80, v2, vm0, $0xb8;
	[tilespmem:$0x1C000] =	vst v63  }
0xb2: {  	s24 =	sadd.s32 $0x1000, s3;
	s30 =	sand.u32 $0x40, s1;
	_ =	swait.ge [sflag:s6], $0x8000  }
0xb3: {  	s24 =	sand.u32 $0x1FFE000, s24;
	s30 =	sadd.s32 s2, s30;
	[sflag:s6] =	ssyncset.done $0x0  }
0xb4: {  	s24 =	sadd.s32 s24, s30;
	[sflag:s6] =	ssyncadd.s32 $0xFFFF8000;
	s6 =	simm.s32 $0x4  }
0xb5: {  	[hbm4b:s24+s28] =	stream.strided.scatter [tilespmem:s26], [sflag:$0x5], $0x8000, s29, s28, $0x38;
	[tilespmem:$0x1C000] =	vst v63  }
0xb6: {  	_ =	swait.ge [sflag:s6], $0x8000  }
0xb7: {  	[sflag:s6] =	ssyncset.done $0x0  }
0xb8: {  	[sflag:s6] =	ssyncadd.s32 $0xFFFF8000  }
0xb9: {  	v2 =	vld.msk [tilespmem:s31+$0x80], $0xf;
	_ =	sdelay $0x4  }
0xba: {  	v3 =	vshll.u32 v2, $0x6  }
0xbb: {  	v2 =	vand.u32 $0x7, v2;
	v3 =	vand.u32 $0xFFFFFE00, v3  }
0xbc: {  	v2 =	vor.u32 v2, v3  }
0xbd: {  	v2 =	vperm.xlane v2, v0;
	_ =	sdelay $0x1  }
0xbe: {  	v2 =	vadd.s32 v1, v2;
	_ =	sdelay $0x4  }
0xbf: {  	[tilespmem:s21], [sflag:$0x1] =	stream.indirect_vreg.gather [hbm4b:s22+s4], $0x80, v2, vm0, $0xb8;
	[tilespmem:$0x1C000] =	vst v63  }
0xc0: {  	s21 =	simm.s32 $0x4800  }
0xc1: {  	[tilespmem:s21], [sflag:$0x1] =	stream.indirect_vreg.gather [hbm4b:s7+s4], $0x80, v2, vm0, $0xb8;
	[tilespmem:$0x1C000] =	vst v63  }
0xc2: {  	s22 =	simm.s32 $0x5000  }
0xc3: {  	[tilespmem:s22], [sflag:$0x1] =	stream.indirect_vreg.gather [hbm4b:s8+s4], $0x80, v2, vm0, $0xb8;
	[tilespmem:$0x1C000] =	vst v63  }
0xc4: {  	s30 =	simm.s32 $0x5800  }
0xc5: {  	[tilespmem:s30], [sflag:$0x1] =	stream.indirect_vreg.gather [hbm4b:s9+s4], $0x80, v2, vm0, $0xb8;
	[tilespmem:$0x1C000] =	vst v63  }
0xc6: {  	s9 =	simm.s32 $0x6000  }
0xc7: {  	[tilespmem:s9], [sflag:$0x1] =	stream.indirect_vreg.gather [hbm4b:s10+s4], $0x80, v2, vm0, $0xb8;
	[tilespmem:$0x1C000] =	vst v63  }
0xc8: {  	s10 =	simm.s32 $0x6800  }
0xc9: {  	[tilespmem:s10], [sflag:$0x1] =	stream.indirect_vreg.gather [hbm4b:s11+s4], $0x80, v2, vm0, $0xb8;
	[tilespmem:$0x1C000] =	vst v63  }
0xca: {  	s11 =	simm.s32 $0x7000  }
0xcb: {  	[tilespmem:s11], [sflag:$0x1] =	stream.indirect_vreg.gather [hbm4b:s12+s4], $0x80, v2, vm0, $0xb8;
	[tilespmem:$0x1C000] =	vst v63  }
0xcc: {  	s12 =	simm.s32 $0x7800  }
0xcd: {  	[tilespmem:s12], [sflag:$0x1] =	stream.indirect_vreg.gather [hbm4b:s13+s4], $0x80, v2, vm0, $0xb8;
	[tilespmem:$0x1C000] =	vst v63  }
0xce: {  	s13 =	simm.s32 $0x8000  }
0xcf: {  	[tilespmem:s13], [sflag:$0x1] =	stream.indirect_vreg.gather [hbm4b:s14+s4], $0x80, v2, vm0, $0xb8;
	[tilespmem:$0x1C000] =	vst v63  }
0xd0: {  	s14 =	simm.s32 $0x8800  }
0xd1: {  	[tilespmem:s14], [sflag:$0x1] =	stream.indirect_vreg.gather [hbm4b:s15+s4], $0x80, v2, vm0, $0xb8;
	[tilespmem:$0x1C000] =	vst v63  }
0xd2: {  	s15 =	simm.s32 $0x9000  }
0xd3: {  	[tilespmem:s15], [sflag:$0x1] =	stream.indirect_vreg.gather [hbm4b:s16+s4], $0x80, v2, vm0, $0xb8;
	[tilespmem:$0x1C000] =	vst v63  }
0xd4: {  	s16 =	simm.s32 $0x9800  }
0xd5: {  	[tilespmem:s16], [sflag:$0x1] =	stream.indirect_vreg.gather [hbm4b:s17+s4], $0x80, v2, vm0, $0xb8;
	[tilespmem:$0x1C000] =	vst v63  }
0xd6: {  	s17 =	simm.s32 $0xA000  }
0xd7: {  	[tilespmem:s17], [sflag:$0x1] =	stream.indirect_vreg.gather [hbm4b:s18+s4], $0x80, v2, vm0, $0xb8;
	[tilespmem:$0x1C000] =	vst v63  }
0xd8: {  	s18 =	simm.s32 $0xA800  }
0xd9: {  	[tilespmem:s18], [sflag:$0x1] =	stream.indirect_vreg.gather [hbm4b:s19+s4], $0x80, v2, vm0, $0xb8;
	[tilespmem:$0x1C000] =	vst v63  }
0xda: {  	s5 =	sadd.s32 $0x3000, s5;
	s0 =	sadd.s32 $0x40, s0;
	s19 =	simm.s32 $0xB000  }
0xdb: {  	[tilespmem:s19], [sflag:$0x1] =	stream.indirect_vreg.gather [hbm4b:s20+s4], $0x80, v2, vm0, $0xb8;
	[tilespmem:$0x1C000] =	vst v63  }
0xdc: {  	s3 =	sadd.s32 $0x2000, s3;
	p0 =	sne.s32 s5, $0x7E000;
	s20 =	simm.s32 $0xB800  }
0xdd: {  	[tilespmem:s20], [sflag:$0x1] =	stream.indirect_vreg.gather [hbm4b:s23+s4], $0x80, v2, vm0, $0xb8;
	[tilespmem:$0x1C000] =	vst v63  }
.Ltmp0:
0xde: {  	s3 =	sand.u32 $0x1FFE000, s3;
	s23 =	simm.s32 $0x3;
	(pc) =	sbr.rel @p0 .LBB2_2-.Ltmp0, $4  }
0xdf: {  	s3 =	sadd.s32 s3, s25;
	s25 =	simm.s32 $0x14000;
	_ =	swait.ge [sflag:s23], $0x8000  }
0xe0: {  	s1 =	sadd.s32 $0xC0, s1;
	s24 =	smov.u32 s2;
	[sflag:s23] =	ssyncset.done $0x0  }
0xe1: {  	s2 =	simm.s32 $0x4000;
	s31 =	sadd.s32 $0x180, s31;
	[sflag:s23] =	ssyncadd.s32 $0xFFFF8000  }
0xe2: {  	[hbm4b:s3+s28] =	stream.strided.scatter [tilespmem:s25], [sflag:$0x6], $0x8000, s29, s28, $0x38;
	[tilespmem:$0x1C000] =	vst v63  }
0xe3: {  	s1 =	simm.s32 $0x5  }
0xe4: {  	_ =	swait.ge [sflag:s1], $0x8000  }
0xe5: {  	[sflag:s1] =	ssyncset.done $0x0  }
0xe6: {  	[sflag:s1] =	ssyncadd.s32 $0xFFFF8000  }
0xe7: {  	v2 =	vld.msk [tilespmem:$0x3F80], $0xf;
	_ =	sdelay $0x4  }
0xe8: {  	v3 =	vshll.u32 v2, $0x6  }
0xe9: {  	v2 =	vand.u32 $0x7, v2;
	v3 =	vand.u32 $0xFFFFFE00, v3  }
0xea: {  	v2 =	vor.u32 v2, v3  }
0xeb: {  	v2 =	vperm.xlane v2, v0;
	_ =	sdelay $0x1  }
0xec: {  	v2 =	vadd.s32 v1, v2;
	_ =	sdelay $0x2  }
0xed: {  	s20 =	rddreg [dreg:$0x19]  }
0xee: {  	s3 =	simm.s32 $0xC000;
	s0 =	rddreg [dreg:$0x1]  }
0xef: {  	[tilespmem:s3], [sflag:$0x2] =	stream.indirect_vreg.gather [hbm4b:s0+s4], $0x80, v2, vm0, $0xb8;
	[tilespmem:$0x1C000] =	vst v63  }
0xf0: {  	s5 =	simm.s32 $0xC800;
	s23 =	rddreg [dreg:$0x1a]  }
0xf1: {  	[tilespmem:s5], [sflag:$0x2] =	stream.indirect_vreg.gather [hbm4b:s20+s4], $0x80, v2, vm0, $0xb8;
	[tilespmem:$0x1C000] =	vst v63  }
0xf2: {  	s25 =	simm.s32 $0xD000;
	s7 =	rddreg [dreg:$0x1c]  }
0xf3: {  	[tilespmem:s25], [sflag:$0x2] =	stream.indirect_vreg.gather [hbm4b:s23+s4], $0x80, v2, vm0, $0xb8;
	[tilespmem:$0x1C000] =	vst v63  }
0xf4: {  	s6 =	simm.s32 $0xD800;
	s5 =	rddreg [dreg:$0x1b]  }
0xf5: {  	[tilespmem:s6], [sflag:$0x2] =	stream.indirect_vreg.gather [hbm4b:s5+s4], $0x80, v2, vm0, $0xb8;
	[tilespmem:$0x1C000] =	vst v63  }
0xf6: {  	s8 =	simm.s32 $0xE000;
	s9 =	rddreg [dreg:$0x1d]  }
0xf7: {  	[tilespmem:s8], [sflag:$0x2] =	stream.indirect_vreg.gather [hbm4b:s7+s4], $0x80, v2, vm0, $0xb8;
	[tilespmem:$0x1C000] =	vst v63  }
0xf8: {  	s10 =	simm.s32 $0xE800;
	s11 =	rddreg [dreg:$0x1e]  }
0xf9: {  	[tilespmem:s10], [sflag:$0x2] =	stream.indirect_vreg.gather [hbm4b:s9+s4], $0x80, v2, vm0, $0xb8;
	[tilespmem:$0x1C000] =	vst v63  }
0xfa: {  	s12 =	simm.s32 $0xF000;
	s13 =	rddreg [dreg:$0x1f]  }
0xfb: {  	[tilespmem:s12], [sflag:$0x2] =	stream.indirect_vreg.gather [hbm4b:s11+s4], $0x80, v2, vm0, $0xb8;
	[tilespmem:$0x1C000] =	vst v63  }
0xfc: {  	s14 =	simm.s32 $0xF800;
	s15 =	sld [smem:$0x7F6]  }
0xfd: {  	[tilespmem:s14], [sflag:$0x2] =	stream.indirect_vreg.gather [hbm4b:s13+s4], $0x80, v2, vm0, $0xb8;
	[tilespmem:$0x1C000] =	vst v63  }
0xfe: {  	s16 =	simm.s32 $0x10000;
	s17 =	sld [smem:$0x7F7]  }
0xff: {  	[tilespmem:s16], [sflag:$0x2] =	stream.indirect_vreg.gather [hbm4b:s15+s4], $0x80, v2, vm0, $0xb8;
	[tilespmem:$0x1C000] =	vst v63  }
0x100: {  	s18 =	simm.s32 $0x10800;
	s19 =	sld [smem:$0x7F8]  }
0x101: {  	[tilespmem:s18], [sflag:$0x2] =	stream.indirect_vreg.gather [hbm4b:s17+s4], $0x80, v2, vm0, $0xb8;
	[tilespmem:$0x1C000] =	vst v63  }
0x102: {  	s20 =	simm.s32 $0x11000;
	s23 =	sld [smem:$0x7F9]  }
0x103: {  	[tilespmem:s20], [sflag:$0x2] =	stream.indirect_vreg.gather [hbm4b:s19+s4], $0x80, v2, vm0, $0xb8;
	[tilespmem:$0x1C000] =	vst v63  }
0x104: {  	s25 =	simm.s32 $0x11800;
	s5 =	sld [smem:$0x7FA]  }
0x105: {  	[tilespmem:s25], [sflag:$0x2] =	stream.indirect_vreg.gather [hbm4b:s23+s4], $0x80, v2, vm0, $0xb8;
	[tilespmem:$0x1C000] =	vst v63  }
0x106: {  	s6 =	simm.s32 $0x12000;
	s7 =	sld [smem:$0x7FB]  }
0x107: {  	[tilespmem:s6], [sflag:$0x2] =	stream.indirect_vreg.gather [hbm4b:s5+s4], $0x80, v2, vm0, $0xb8;
	[tilespmem:$0x1C000] =	vst v63  }
0x108: {  	s8 =	simm.s32 $0x12800;
	s9 =	sld [smem:$0x7FC]  }
0x109: {  	[tilespmem:s8], [sflag:$0x2] =	stream.indirect_vreg.gather [hbm4b:s7+s4], $0x80, v2, vm0, $0xb8;
	[tilespmem:$0x1C000] =	vst v63  }
0x10a: {  	s10 =	simm.s32 $0x13000;
	s11 =	sld [smem:$0x7FD]  }
0x10b: {  	[tilespmem:s10], [sflag:$0x2] =	stream.indirect_vreg.gather [hbm4b:s9+s4], $0x80, v2, vm0, $0xb8;
	[tilespmem:$0x1C000] =	vst v63  }
0x10c: {  	s12 =	simm.s32 $0x13800;
	s13 =	simm.s32 $0x1  }
0x10d: {  	[tilespmem:s12], [sflag:$0x2] =	stream.indirect_vreg.gather [hbm4b:s11+s4], $0x80, v2, vm0, $0xb8;
	[tilespmem:$0x1C000] =	vst v63  }
0x10e: {  	_ =	swait.ge [sflag:s13], $0x8000  }
0x10f: {  	s15 =	simm.s32 $0x200;
	s16 =	simm.s32 $0x6;
	[sflag:s13] =	ssyncset.done $0x0  }
0x110: {  	s23 =	simm.s32 $0x400;
	s14 =	rddreg [dreg:$0x15];
	[sflag:s13] =	ssyncadd.s32 $0xFFFF8000  }
0x111: {  	[hbm4b:s14+s15] =	stream.strided.scatter [tilespmem:s2], [sflag:$0x4], $0x8000, s23, s15, $0x38;
	[tilespmem:$0x1C000] =	vst v63  }
0x112: {  	_ =	swait.ge [sflag:s16], $0x8000  }
0x113: {  	[sflag:s16] =	ssyncset.done $0x0  }
0x114: {  	s17 =	simm.s32 $0x2;
	[sflag:s16] =	ssyncadd.s32 $0xFFFF8000  }
0x115: {  	_ =	swait.ge [sflag:s17], $0x8000  }
0x116: {  	[sflag:s17] =	ssyncset.done $0x0  }
0x117: {  	s19 =	simm.s32 $0x4;
	s18 =	rddreg [dreg:$0x16];
	[sflag:s17] =	ssyncadd.s32 $0xFFFF8000  }
0x118: {  	[hbm4b:s18+s15] =	stream.strided.scatter [tilespmem:s3], [sflag:$0x5], $0x8000, s23, s15, $0x38;
	[tilespmem:$0x1C000] =	vst v63  }
0x119: {  	_ =	swait.ge [sflag:s19], $0x8000  }
0x11a: {  	[sflag:s19] =	ssyncset.done $0x0  }
0x11b: {  	[sflag:s19] =	ssyncadd.s32 $0xFFFF8000  }
0x11c: {  	_ =	swait.ge [sflag:s1], $0x8000  }
0x11d: {  	s20 =	rddreg [dreg:$0x18]  }
0x11e: {  	s25 =	rddreg [dreg:$0x17];
	s23 =	sadd.s32 $0x1, s20  }
0x11f: {  	p0 =	sne.s32 s23, s25  }
.Ltmp1:
0x120: {  	_ = 	snop;
	(pc) =	sbr.rel @p0 .LBB2_1-.Ltmp1, $4  }
0x121: {  	_ = 	snop  }
0x122: {  	s31 =	simm.s32 $0x8000  }
0x123: {  	s5 =	simm.s32 $0x7000;
	s3 =	simm.s32 $0x6800;
	[sflag:s1] =	ssyncset.done $0x0  }
0x124: {  	[sflag:s1] =	ssyncadd.s32 $0xFFFF8000;
	s1 =	simm.s32 $0x6000;
	s25 =	simm.s32 $0x7800  }
0x125: {  	_ =	sfence.sel $0x180000  }
0x126: {  	[bflag:$0x0] =	sbarrier.arrive $0xFFFF  }
0x127: {  	_ =	strace $0x90000047  }
0x128: {  	s0 =	stileid.u32;
	[bflag:$0x2] =	sbarrier.arrive $0xFFFF  }
0x129: {  	p0 =	sne.s32 s0, $0x0;
	s0 =	rddreg [dreg:$0x3]  }
0x12a: {  	s0 =	sadd.s32 @!p0 $0x100000, s0  }
0x12b: {  	[sflag:s0] =	ssyncadd.tile.s32 @!p0 $0x1;
	_ =	shalt  }
.Lfunc_end2:
_tile_overlayer_lowered:
.L_overlay_start_2:
0x12c: {  	(tag) =	ssettag $0x2  }
0x12d: {  	s0 =	rddreg [dreg:$0x0];
	s2 =	stileid.u32  }
0x12e: {  	s1 =	rddreg [dreg:$0x1];
	p0 =	sne.s32 s2, $0x0  }
0x12f: {  	s3 =	rddreg [dreg:$0x2];
	[bflag:$0x3] =	sbarrier.arrive $0xFFFF;
	s2 =	simm.s32 @!p0 $0x1C07  }
0x130: {  	[timem:s3], [sflag:s2] =	dma.local @!p0 [hbm:s0], s1  }
0x131: {  	s0 =	simm.s32 @!p0 $0x7  }
0x132: {  	_ =	swait.ge @!p0 [sflag:s0], s1  }
0x133: {  	s1 =	ssub.s32 @!p0 $0x0, s1;
	[sflag:s0] =	ssyncset.done @!p0 $0x0  }
0x134: {  	[sflag:s0] =	ssyncadd.s32 @!p0 s1  }
0x135: {  	[bflag:$0x3] =	sbarrier.arrive $0xFFFF  }
0x136: {  	_ =	shalt  }

</sc_bundles>
